<compile_context>
chip_gen: v7x
topology: tpu7x:2x2x1
jax: 0.10.2.dev20260603
libtpu: 0.0.44.dev20260713+nightly
codegen_flags: <defaults>
</compile_context>

<pallas_src>
import functools

import jax
import jax.numpy as jnp
from jax import lax
from jax.experimental import pallas as pl
from jax.experimental.pallas import tpu as pltpu
from jax.experimental.pallas import tpu_sc as plsc

B = 4096
D = 128
NUM_SC_TABLES = 3
NC = 2
NS = 16
NW = NC * NS
SEG = B // NW
BB = 1024
HEX_BITS = 16
NUM_VOLATILE_FIELDS = 9
HEX_FEATS = NUM_VOLATILE_FIELDS * HEX_BITS

def _sc_gather(tables, idxs):
    mesh = plsc.VectorSubcoreMesh(core_axis_name="c", subcore_axis_name="s")
    n = NUM_SC_TABLES

    @functools.partial(
        pl.kernel,
        out_type=jax.ShapeDtypeStruct((n * B, D), jnp.float32),
        mesh=mesh,
        scratch_types=(
            [pltpu.VMEM((SEG,), jnp.int32) for _ in range(n)]
            + [pltpu.VMEM((SEG, D), jnp.float32) for _ in range(n)]
            + [pltpu.SemaphoreType.DMA for _ in range(3 * n)]
        ),
    )
    def gather_kernel(t0, t1, t2, i0, i1, i2, out_hbm, *scratch):
        tabs = (t0, t1, t2)
        idx_hbm = (i0, i1, i2)
        ib = scratch[:n]
        rb = scratch[n:2 * n]
        sis = scratch[2 * n:3 * n]
        sgs = scratch[3 * n:4 * n]
        sws = scratch[4 * n:5 * n]
        wid = lax.axis_index("s") * NC + lax.axis_index("c")
        base = wid * SEG

        icp = [
            pltpu.async_copy(idx_hbm[k].at[pl.ds(base, SEG)], ib[k], sis[k])
            for k in range(n)
        ]
        gcp = [None] * n
        wcp = [None] * n
        for k in range(n):
            icp[k].wait()
            gcp[k] = pltpu.async_copy(tabs[k].at[ib[k]], rb[k], sgs[k])
        for k in range(n):
            gcp[k].wait()
            wcp[k] = pltpu.async_copy(
                rb[k], out_hbm.at[pl.ds(k * B + base, SEG)], sws[k])
        for k in range(n):
            wcp[k].wait()

    return gather_kernel(*tables, *idxs)


def _fused_body(rows_ref, mv_ref, sd_ref, vol_ref, sp_ref, act_ref, side_ref,
                whex_ref, wout_ref, b_ref, o_ref):
    mv = mv_ref[...]
    na = act_ref.shape[0]
    cols = lax.broadcasted_iota(jnp.int32, (BB, na), 1)
    counts = (
        (mv[:, 0:1] == cols).astype(jnp.bfloat16)
        + (mv[:, 1:2] == cols).astype(jnp.bfloat16)
        + (mv[:, 2:3] == cols).astype(jnp.bfloat16)
        + (mv[:, 3:4] == cols).astype(jnp.bfloat16)
    )
    mv_sum = jnp.dot(counts, act_ref[...],
                     preferred_element_type=jnp.float32)
    acc = jnp.maximum(mv_sum * 0.25, 0.0)
    sd = sd_ref[...]
    acc += jnp.maximum(
        jnp.where(sd == 0, side_ref[0:1, :], side_ref[1:2, :]), 0.0)
    v = vol_ref[...]
    k16 = lax.broadcasted_iota(jnp.int32, (1, HEX_BITS), 1)
    for f in range(NUM_VOLATILE_FIELDS):
        bits_f = (jnp.right_shift(v[:, f : f + 1], k16) & 1).astype(
            jnp.float32)
        acc += jnp.dot(bits_f,
                       whex_ref[pl.ds(f * HEX_BITS, HEX_BITS), :],
                       preferred_element_type=jnp.float32)
    g = rows_ref[...]
    acc += jnp.maximum(g[0], 0.0) + jnp.maximum(g[1], 0.0)
    acc += jnp.maximum(g[2], 0.0)
    out = jnp.dot(acc, wout_ref[...], preferred_element_type=jnp.float32)
    out = jnp.maximum(out + b_ref[...], 0.0)
    o_ref[...] = jnp.where(sp_ref[...] != 0, out, 0.0)


def _tc_fused(rows3, mv, sd, vol, sp, actions, side_table, w_hex, w_out, b2):
    n_blocks = B // BB
    na = actions.shape[0]
    return pl.pallas_call(
        _fused_body,
        grid=(n_blocks,),
        in_specs=[
            pl.BlockSpec((NUM_SC_TABLES, BB, D), lambda i: (0, i, 0)),
            pl.BlockSpec((BB, 4), lambda i: (i, 0)),
            pl.BlockSpec((BB, 1), lambda i: (i, 0)),
            pl.BlockSpec((BB, NUM_VOLATILE_FIELDS), lambda i: (i, 0)),
            pl.BlockSpec((BB, 1), lambda i: (i, 0)),
            pl.BlockSpec((na, D), lambda i: (0, 0)),
            pl.BlockSpec((2, D), lambda i: (0, 0)),
            pl.BlockSpec((HEX_FEATS, D), lambda i: (0, 0)),
            pl.BlockSpec((D, D), lambda i: (0, 0)),
            pl.BlockSpec((1, D), lambda i: (0, 0)),
        ],
        out_specs=pl.BlockSpec((BB, D), lambda i: (i, 0)),
        out_shape=jax.ShapeDtypeStruct((B, D), jnp.float32),
    )(rows3, mv, sd, vol, sp, actions, side_table, w_hex, w_out, b2)


def kernel(species_idx, ability_idx, item_idx, side_idx, move_ids, volatiles,
           species_table, abilities_table, items_table, actions_table,
           side_table, W_hex, W_out, b_out):
    sp = species_idx.astype(jnp.int32)
    rows = _sc_gather(
        (species_table, abilities_table, items_table),
        (sp, ability_idx.astype(jnp.int32), item_idx.astype(jnp.int32)))
    rows3 = rows.reshape(NUM_SC_TABLES, B, D)
    actions_pad = jnp.zeros((1024, D), jnp.bfloat16).at[
        :actions_table.shape[0]].set(actions_table.astype(jnp.bfloat16))
    return _tc_fused(rows3, move_ids.astype(jnp.int32),
                     side_idx.astype(jnp.int32).reshape(B, 1),
                     volatiles.astype(jnp.int32), sp.reshape(B, 1),
                     actions_pad, side_table, W_hex, W_out,
                     b_out.reshape(1, D))

# --- scband reference (transcript-rebuilt; emitter-appended) ---
"""Pipeline reference for scband-encoder-1752346657629 (READ-ONLY COPY).

The authoritative reference and input builder live on the scoring server;
editing this copy changes nothing except your own understanding.
"""

import jax, jax.numpy as jnp
import numpy as np

B = 4096
D = 128  # entity_size
NUM_SPECIES = 1000
NUM_ABILITIES = 1000
NUM_ITEMS = 1000
NUM_ACTIONS = 1000
NUM_VOLATILE_FIELDS = 9
HEX_BITS = 16


def hex_encode(v):
    # BinaryEncoder(num_bits=16): expand uint16 values into 16 binary features
    bits = jnp.bitwise_and(
        jnp.right_shift(v[..., None].astype(jnp.int32), jnp.arange(HEX_BITS, dtype=jnp.int32)), 1
    )
    return bits.astype(jnp.float32)


def setup_inputs(seed: int = 0) -> dict:
    key = jax.random.key(seed)
    ks = jax.random.split(key, 14)
    inp = {
        # forward index inputs (token features of each entity)
        "species_idx": jax.random.randint(ks[0], (B,), 0, NUM_SPECIES, dtype=jnp.int32).astype(jnp.int64),
        "ability_idx": jax.random.randint(ks[1], (B,), 0, NUM_ABILITIES, dtype=jnp.int32).astype(jnp.int64),
        "item_idx": jax.random.randint(ks[2], (B,), 0, NUM_ITEMS, dtype=jnp.int32).astype(jnp.int64),
        "side_idx": jax.random.randint(ks[3], (B,), 0, 2, dtype=jnp.int32).astype(jnp.int64),
        "move_ids": jax.random.randint(ks[4], (B, 4), 0, NUM_ACTIONS, dtype=jnp.int32).astype(jnp.int64),
        "volatiles": jax.random.randint(ks[5], (B, NUM_VOLATILE_FIELDS), 0, 65536, dtype=jnp.int32).astype(jnp.int64),
        # learned parameters (nn.Embed tables + SumEmbeddings projection)
        "species_table": jax.random.normal(ks[6], (NUM_SPECIES, D), dtype=jnp.float32) * 0.02,
        "abilities_table": jax.random.normal(ks[7], (NUM_ABILITIES, D), dtype=jnp.float32) * 0.02,
        "items_table": jax.random.normal(ks[8], (NUM_ITEMS, D), dtype=jnp.float32) * 0.02,
        "actions_table": jax.random.normal(ks[9], (NUM_ACTIONS, D), dtype=jnp.float32) * 0.02,
        "side_table": jax.random.normal(ks[10], (2, D), dtype=jnp.float32) * 0.02,
        "W_hex": jax.random.normal(ks[11], (NUM_VOLATILE_FIELDS * HEX_BITS, D), dtype=jnp.float32) * 0.02,
        "W_out": jax.random.normal(ks[12], (D, D), dtype=jnp.float32) * 0.05,
        "b_out": jnp.zeros((D,), dtype=jnp.float32),
    }
    return inp


def reference(species_idx, ability_idx, item_idx, side_idx, move_ids, volatiles,
              species_table, abilities_table, items_table, actions_table, side_table,
              W_hex, W_out, b_out):
    # _encode_entity, vmapped over the entity batch (vectorized here directly)
    act = jax.nn.relu
    species_emb = act(jnp.take(species_table, species_idx, axis=0))          # gather [B, D]
    ability_emb = act(jnp.take(abilities_table, ability_idx, axis=0))        # gather [B, D]
    item_emb = act(jnp.take(items_table, item_idx, axis=0))                  # gather [B, D]
    side_emb = act(jnp.take(side_table, side_idx, axis=0))                   # gather [B, D]
    # moveset: 4 action-id lookups summed, scaled by 1/4
    moveset_emb = act(jnp.take(actions_table, move_ids.reshape(-1), axis=0).reshape(B, 4, D).sum(axis=1) / 4.0)
    # HEX_ENCODER on volatiles bitfields -> [B, 9*16] binary features, projected
    volatiles_feats = hex_encode(volatiles).reshape(B, NUM_VOLATILE_FIELDS * HEX_BITS)
    hex_emb = volatiles_feats @ W_hex
    # SumEmbeddings aggregate + output projection
    summed = species_emb + ability_emb + item_emb + side_emb + moveset_emb + hex_emb
    embedding = act(summed @ W_out + b_out)
    # entity mask: species token 0 treated as NULL/PAD
    mask = jnp.not_equal(species_idx, 0)
    embedding = jnp.where(mask[:, None], embedding, 0.0)
    return embedding

if __name__ == "__main__":
    import jax
    _d = setup_inputs()
    print(jax.jit(kernel)(*tuple(_d.values())))

</pallas_src>

<mosaic_0001>
#map = affine_map<(d0, d1) -> (0, 0)>
#map1 = affine_map<(d0, d1) -> (0)>
module attributes {stable_mosaic.version = 14 : i64} {
  func.func @gather_kernel(%arg0: i32, %arg1: i32, %arg2: memref<1000x128xf32, #tpu.memory_space<hbm>>, %arg3: memref<1000x128xf32, #tpu.memory_space<hbm>>, %arg4: memref<1000x128xf32, #tpu.memory_space<hbm>>, %arg5: memref<4096xi32, #tpu.memory_space<hbm>>, %arg6: memref<4096xi32, #tpu.memory_space<hbm>>, %arg7: memref<4096xi32, #tpu.memory_space<hbm>>, %arg8: memref<12288x128xf32, #tpu.memory_space<hbm>>, %arg9: memref<128xi32, #tpu.memory_space<vmem>>, %arg10: memref<128xi32, #tpu.memory_space<vmem>>, %arg11: memref<128xi32, #tpu.memory_space<vmem>>, %arg12: memref<128x128xf32, #tpu.memory_space<vmem>>, %arg13: memref<128x128xf32, #tpu.memory_space<vmem>>, %arg14: memref<128x128xf32, #tpu.memory_space<vmem>>, %arg15: memref<!tpu.dma_semaphore, #tpu.memory_space<semaphore_mem>>, %arg16: memref<!tpu.dma_semaphore, #tpu.memory_space<semaphore_mem>>, %arg17: memref<!tpu.dma_semaphore, #tpu.memory_space<semaphore_mem>>, %arg18: memref<!tpu.dma_semaphore, #tpu.memory_space<semaphore_mem>>, %arg19: memref<!tpu.dma_semaphore, #tpu.memory_space<semaphore_mem>>, %arg20: memref<!tpu.dma_semaphore, #tpu.memory_space<semaphore_mem>>, %arg21: memref<!tpu.dma_semaphore, #tpu.memory_space<semaphore_mem>>, %arg22: memref<!tpu.dma_semaphore, #tpu.memory_space<semaphore_mem>>, %arg23: memref<!tpu.dma_semaphore, #tpu.memory_space<semaphore_mem>>) attributes {dimension_semantics = [#tpu.dimension_semantics<core_parallel>, #tpu.dimension_semantics<subcore_parallel>], iteration_bounds = array<i64: 2, 16>, scalar_prefetch = 0 : i64, scratch_operands = 15 : i64, tpu.core_type = #tpu.core_type<sc_vector_subcore>, window_params = [{transform_indices = #map}, {transform_indices = #map}, {transform_indices = #map}, {transform_indices = #map1}, {transform_indices = #map1}, {transform_indices = #map1}, {transform_indices = #map}]} {
    %mul3A = arith.constant 2 : i32
    %mul3A_0 = arith.muli %arg1, %mul3A : i32
    %add3A = arith.addi %mul3A_0, %arg0 : i32
    %mul3A_1 = arith.constant 128 : i32
    %mul3A_2 = arith.muli %add3A, %mul3A_1 : i32
    %dma_start3A = tpu.memref_slice %arg5[%mul3A_2] : memref<4096xi32, #tpu.memory_space<hbm>> -> memref<128xi32, #tpu.memory_space<hbm>>
    %dma_start3A_3 = tpu.memref_slice %arg5[%mul3A_2] : memref<4096xi32, #tpu.memory_space<hbm>> -> memref<128xi32, #tpu.memory_space<hbm>>
    tpu.enqueue_dma source(%dma_start3A_3 : memref<128xi32, #tpu.memory_space<hbm>>) target(%arg9 : memref<128xi32, #tpu.memory_space<vmem>>) target_semaphore(%arg15 : memref<!tpu.dma_semaphore, #tpu.memory_space<semaphore_mem>>)
    %dma_start3A_4 = tpu.memref_slice %arg6[%mul3A_2] : memref<4096xi32, #tpu.memory_space<hbm>> -> memref<128xi32, #tpu.memory_space<hbm>>
    %dma_start3A_5 = tpu.memref_slice %arg6[%mul3A_2] : memref<4096xi32, #tpu.memory_space<hbm>> -> memref<128xi32, #tpu.memory_space<hbm>>
    tpu.enqueue_dma source(%dma_start3A_5 : memref<128xi32, #tpu.memory_space<hbm>>) target(%arg10 : memref<128xi32, #tpu.memory_space<vmem>>) target_semaphore(%arg16 : memref<!tpu.dma_semaphore, #tpu.memory_space<semaphore_mem>>)
    %dma_start3A_6 = tpu.memref_slice %arg7[%mul3A_2] : memref<4096xi32, #tpu.memory_space<hbm>> -> memref<128xi32, #tpu.memory_space<hbm>>
    %dma_start3A_7 = tpu.memref_slice %arg7[%mul3A_2] : memref<4096xi32, #tpu.memory_space<hbm>> -> memref<128xi32, #tpu.memory_space<hbm>>
    tpu.enqueue_dma source(%dma_start3A_7 : memref<128xi32, #tpu.memory_space<hbm>>) target(%arg11 : memref<128xi32, #tpu.memory_space<vmem>>) target_semaphore(%arg17 : memref<!tpu.dma_semaphore, #tpu.memory_space<semaphore_mem>>)
    %dma_wait3A = tpu.memref_slice %arg5[%mul3A_2] : memref<4096xi32, #tpu.memory_space<hbm>> -> memref<128xi32, #tpu.memory_space<hbm>>
    %dma_wait3A_8 = tpu.memref_slice %arg5[%mul3A_2] : memref<4096xi32, #tpu.memory_space<hbm>> -> memref<128xi32, #tpu.memory_space<hbm>>
    tpu.wait_dma2 semaphore(%arg15 : memref<!tpu.dma_semaphore, #tpu.memory_space<semaphore_mem>>) src(%dma_wait3A_8 : memref<128xi32, #tpu.memory_space<hbm>>) dst(%arg9 : memref<128xi32, #tpu.memory_space<vmem>>)
    %dma_start3A_9 = arith.constant 0 : i32
    %dma_start3A_10 = arith.constant 0 : i32
    %dma_start3A_11 = tpu.memref_slice %arg2[%dma_start3A_9, %dma_start3A_10] : memref<1000x128xf32, #tpu.memory_space<hbm>> -> memref<1000x128xf32, #tpu.memory_space<hbm>>
    tpu.enqueue_indirect_dma source(%dma_start3A_11 : memref<1000x128xf32, #tpu.memory_space<hbm>>) target(%arg12 : memref<128x128xf32, #tpu.memory_space<vmem>>) offsets(%arg9 : memref<128xi32, #tpu.memory_space<vmem>>) semaphore(%arg18 : memref<!tpu.dma_semaphore, #tpu.memory_space<semaphore_mem>>)
    %dma_wait3A_12 = tpu.memref_slice %arg6[%mul3A_2] : memref<4096xi32, #tpu.memory_space<hbm>> -> memref<128xi32, #tpu.memory_space<hbm>>
    %dma_wait3A_13 = tpu.memref_slice %arg6[%mul3A_2] : memref<4096xi32, #tpu.memory_space<hbm>> -> memref<128xi32, #tpu.memory_space<hbm>>
    tpu.wait_dma2 semaphore(%arg16 : memref<!tpu.dma_semaphore, #tpu.memory_space<semaphore_mem>>) src(%dma_wait3A_13 : memref<128xi32, #tpu.memory_space<hbm>>) dst(%arg10 : memref<128xi32, #tpu.memory_space<vmem>>)
    %dma_start3A_14 = arith.constant 0 : i32
    %dma_start3A_15 = arith.constant 0 : i32
    %dma_start3A_16 = tpu.memref_slice %arg3[%dma_start3A_14, %dma_start3A_15] : memref<1000x128xf32, #tpu.memory_space<hbm>> -> memref<1000x128xf32, #tpu.memory_space<hbm>>
    tpu.enqueue_indirect_dma source(%dma_start3A_16 : memref<1000x128xf32, #tpu.memory_space<hbm>>) target(%arg13 : memref<128x128xf32, #tpu.memory_space<vmem>>) offsets(%arg10 : memref<128xi32, #tpu.memory_space<vmem>>) semaphore(%arg19 : memref<!tpu.dma_semaphore, #tpu.memory_space<semaphore_mem>>)
    %dma_wait3A_17 = tpu.memref_slice %arg7[%mul3A_2] : memref<4096xi32, #tpu.memory_space<hbm>> -> memref<128xi32, #tpu.memory_space<hbm>>
    %dma_wait3A_18 = tpu.memref_slice %arg7[%mul3A_2] : memref<4096xi32, #tpu.memory_space<hbm>> -> memref<128xi32, #tpu.memory_space<hbm>>
    tpu.wait_dma2 semaphore(%arg17 : memref<!tpu.dma_semaphore, #tpu.memory_space<semaphore_mem>>) src(%dma_wait3A_18 : memref<128xi32, #tpu.memory_space<hbm>>) dst(%arg11 : memref<128xi32, #tpu.memory_space<vmem>>)
    %dma_start3A_19 = arith.constant 0 : i32
    %dma_start3A_20 = arith.constant 0 : i32
    %dma_start3A_21 = tpu.memref_slice %arg4[%dma_start3A_19, %dma_start3A_20] : memref<1000x128xf32, #tpu.memory_space<hbm>> -> memref<1000x128xf32, #tpu.memory_space<hbm>>
    tpu.enqueue_indirect_dma source(%dma_start3A_21 : memref<1000x128xf32, #tpu.memory_space<hbm>>) target(%arg14 : memref<128x128xf32, #tpu.memory_space<vmem>>) offsets(%arg11 : memref<128xi32, #tpu.memory_space<vmem>>) semaphore(%arg20 : memref<!tpu.dma_semaphore, #tpu.memory_space<semaphore_mem>>)
    %dma_wait3A_22 = arith.constant 0 : i32
    %dma_wait3A_23 = arith.constant 0 : i32
    %dma_wait3A_24 = tpu.memref_slice %arg2[%dma_wait3A_22, %dma_wait3A_23] : memref<1000x128xf32, #tpu.memory_space<hbm>> -> memref<1000x128xf32, #tpu.memory_space<hbm>>
    tpu.wait_indirect_dma semaphore(%arg18 : memref<!tpu.dma_semaphore, #tpu.memory_space<semaphore_mem>>) src(%dma_wait3A_24 : memref<1000x128xf32, #tpu.memory_space<hbm>>) dst(%arg12 : memref<128x128xf32, #tpu.memory_space<vmem>>)
    %add3A_25 = arith.constant 0 : i32
    %add3A_26 = arith.addi %add3A_25, %mul3A_2 : i32
    %dma_start3A_27 = arith.constant 0 : i32
    %dma_start3A_28 = tpu.memref_slice %arg8[%add3A_26, %dma_start3A_27] : memref<12288x128xf32, #tpu.memory_space<hbm>> -> memref<128x128xf32, #tpu.memory_space<hbm>>
    %dma_start3A_29 = arith.constant 0 : i32
    %dma_start3A_30 = tpu.memref_slice %arg8[%add3A_26, %dma_start3A_29] : memref<12288x128xf32, #tpu.memory_space<hbm>> -> memref<128x128xf32, #tpu.memory_space<hbm>>
    tpu.enqueue_dma source(%arg12 : memref<128x128xf32, #tpu.memory_space<vmem>>) target(%dma_start3A_30 : memref<128x128xf32, #tpu.memory_space<hbm>>) target_semaphore(%arg21 : memref<!tpu.dma_semaphore, #tpu.memory_space<semaphore_mem>>)
    %dma_wait3A_31 = arith.constant 0 : i32
    %dma_wait3A_32 = arith.constant 0 : i32
    %dma_wait3A_33 = tpu.memref_slice %arg3[%dma_wait3A_31, %dma_wait3A_32] : memref<1000x128xf32, #tpu.memory_space<hbm>> -> memref<1000x128xf32, #tpu.memory_space<hbm>>
    tpu.wait_indirect_dma semaphore(%arg19 : memref<!tpu.dma_semaphore, #tpu.memory_space<semaphore_mem>>) src(%dma_wait3A_33 : memref<1000x128xf32, #tpu.memory_space<hbm>>) dst(%arg13 : memref<128x128xf32, #tpu.memory_space<vmem>>)
    %add3A_34 = arith.constant 4096 : i32
    %add3A_35 = arith.addi %add3A_34, %mul3A_2 : i32
    %dma_start3A_36 = arith.constant 0 : i32
    %dma_start3A_37 = tpu.memref_slice %arg8[%add3A_35, %dma_start3A_36] : memref<12288x128xf32, #tpu.memory_space<hbm>> -> memref<128x128xf32, #tpu.memory_space<hbm>>
    %dma_start3A_38 = arith.constant 0 : i32
    %dma_start3A_39 = tpu.memref_slice %arg8[%add3A_35, %dma_start3A_38] : memref<12288x128xf32, #tpu.memory_space<hbm>> -> memref<128x128xf32, #tpu.memory_space<hbm>>
    tpu.enqueue_dma source(%arg13 : memref<128x128xf32, #tpu.memory_space<vmem>>) target(%dma_start3A_39 : memref<128x128xf32, #tpu.memory_space<hbm>>) target_semaphore(%arg22 : memref<!tpu.dma_semaphore, #tpu.memory_space<semaphore_mem>>)
    %dma_wait3A_40 = arith.constant 0 : i32
    %dma_wait3A_41 = arith.constant 0 : i32
    %dma_wait3A_42 = tpu.memref_slice %arg4[%dma_wait3A_40, %dma_wait3A_41] : memref<1000x128xf32, #tpu.memory_space<hbm>> -> memref<1000x128xf32, #tpu.memory_space<hbm>>
    tpu.wait_indirect_dma semaphore(%arg20 : memref<!tpu.dma_semaphore, #tpu.memory_space<semaphore_mem>>) src(%dma_wait3A_42 : memref<1000x128xf32, #tpu.memory_space<hbm>>) dst(%arg14 : memref<128x128xf32, #tpu.memory_space<vmem>>)
    %add3A_43 = arith.constant 8192 : i32
    %add3A_44 = arith.addi %add3A_43, %mul3A_2 : i32
    %dma_start3A_45 = arith.constant 0 : i32
    %dma_start3A_46 = tpu.memref_slice %arg8[%add3A_44, %dma_start3A_45] : memref<12288x128xf32, #tpu.memory_space<hbm>> -> memref<128x128xf32, #tpu.memory_space<hbm>>
    %dma_start3A_47 = arith.constant 0 : i32
    %dma_start3A_48 = tpu.memref_slice %arg8[%add3A_44, %dma_start3A_47] : memref<12288x128xf32, #tpu.memory_space<hbm>> -> memref<128x128xf32, #tpu.memory_space<hbm>>
    tpu.enqueue_dma source(%arg14 : memref<128x128xf32, #tpu.memory_space<vmem>>) target(%dma_start3A_48 : memref<128x128xf32, #tpu.memory_space<hbm>>) target_semaphore(%arg23 : memref<!tpu.dma_semaphore, #tpu.memory_space<semaphore_mem>>)
    %dma_wait3A_49 = arith.constant 0 : i32
    %dma_wait3A_50 = tpu.memref_slice %arg8[%add3A_26, %dma_wait3A_49] : memref<12288x128xf32, #tpu.memory_space<hbm>> -> memref<128x128xf32, #tpu.memory_space<hbm>>
    %dma_wait3A_51 = arith.constant 0 : i32
    %dma_wait3A_52 = tpu.memref_slice %arg8[%add3A_26, %dma_wait3A_51] : memref<12288x128xf32, #tpu.memory_space<hbm>> -> memref<128x128xf32, #tpu.memory_space<hbm>>
    tpu.wait_dma2 semaphore(%arg21 : memref<!tpu.dma_semaphore, #tpu.memory_space<semaphore_mem>>) src(%arg12 : memref<128x128xf32, #tpu.memory_space<vmem>>) dst(%dma_wait3A_52 : memref<128x128xf32, #tpu.memory_space<hbm>>)
    %dma_wait3A_53 = arith.constant 0 : i32
    %dma_wait3A_54 = tpu.memref_slice %arg8[%add3A_35, %dma_wait3A_53] : memref<12288x128xf32, #tpu.memory_space<hbm>> -> memref<128x128xf32, #tpu.memory_space<hbm>>
    %dma_wait3A_55 = arith.constant 0 : i32
    %dma_wait3A_56 = tpu.memref_slice %arg8[%add3A_35, %dma_wait3A_55] : memref<12288x128xf32, #tpu.memory_space<hbm>> -> memref<128x128xf32, #tpu.memory_space<hbm>>
    tpu.wait_dma2 semaphore(%arg22 : memref<!tpu.dma_semaphore, #tpu.memory_space<semaphore_mem>>) src(%arg13 : memref<128x128xf32, #tpu.memory_space<vmem>>) dst(%dma_wait3A_56 : memref<128x128xf32, #tpu.memory_space<hbm>>)
    %dma_wait3A_57 = arith.constant 0 : i32
    %dma_wait3A_58 = tpu.memref_slice %arg8[%add3A_44, %dma_wait3A_57] : memref<12288x128xf32, #tpu.memory_space<hbm>> -> memref<128x128xf32, #tpu.memory_space<hbm>>
    %dma_wait3A_59 = arith.constant 0 : i32
    %dma_wait3A_60 = tpu.memref_slice %arg8[%add3A_44, %dma_wait3A_59] : memref<12288x128xf32, #tpu.memory_space<hbm>> -> memref<128x128xf32, #tpu.memory_space<hbm>>
    tpu.wait_dma2 semaphore(%arg23 : memref<!tpu.dma_semaphore, #tpu.memory_space<semaphore_mem>>) src(%arg14 : memref<128x128xf32, #tpu.memory_space<vmem>>) dst(%dma_wait3A_60 : memref<128x128xf32, #tpu.memory_space<hbm>>)
    return
  }
}

module attributes {stable_mosaic.version = 14 : i64} {
  func.func @_fused_body(%arg0: i32, %arg1: memref<3x1024x128xf32, #tpu.memory_space<vmem>>, %arg2: memref<1024x4xi32, #tpu.memory_space<vmem>>, %arg3: memref<1024x1xi32, #tpu.memory_space<vmem>>, %arg4: memref<1024x9xi32, #tpu.memory_space<vmem>>, %arg5: memref<1024x1xi32, #tpu.memory_space<vmem>>, %arg6: memref<1024x128xbf16, #tpu.memory_space<vmem>>, %arg7: memref<2x128xf32, #tpu.memory_space<vmem>>, %arg8: memref<144x128xf32, #tpu.memory_space<vmem>>, %arg9: memref<128x128xf32, #tpu.memory_space<vmem>>, %arg10: memref<1x128xf32, #tpu.memory_space<vmem>>, %arg11: memref<1024x128xf32, #tpu.memory_space<vmem>>) attributes {dimension_semantics = [#tpu.dimension_semantics<arbitrary>], iteration_bounds = array<i64: 4>, scalar_prefetch = 0 : i64, scratch_operands = 0 : i64, tpu.core_type = #tpu.core_type<tc>, window_params = [{transform_indices = @transform_0, window_bounds = array<i64: 3, 1024, 128>}, {transform_indices = @transform_1, window_bounds = array<i64: 1024, 4>}, {transform_indices = @transform_2, window_bounds = array<i64: 1024, 1>}, {transform_indices = @transform_3, window_bounds = array<i64: 1024, 9>}, {transform_indices = @transform_4, window_bounds = array<i64: 1024, 1>}, {pipeline_mode = #tpu.pipeline_mode<synchronous>, transform_indices = @transform_5, window_bounds = array<i64: 1024, 128>}, {pipeline_mode = #tpu.pipeline_mode<synchronous>, transform_indices = @transform_6, window_bounds = array<i64: 2, 128>}, {pipeline_mode = #tpu.pipeline_mode<synchronous>, transform_indices = @transform_7, window_bounds = array<i64: 144, 128>}, {pipeline_mode = #tpu.pipeline_mode<synchronous>, transform_indices = @transform_8, window_bounds = array<i64: 128, 128>}, {pipeline_mode = #tpu.pipeline_mode<synchronous>, transform_indices = @transform_9, window_bounds = array<i64: 1, 128>}, {transform_indices = @transform_10, window_bounds = array<i64: 1024, 128>}]} {
    %get3A = arith.constant 0 : index
    %get3A_0 = arith.constant 0 : index
    %get3A_1 = vector.load %arg2[%get3A, %get3A_0] : memref<1024x4xi32, #tpu.memory_space<vmem>>, vector<1024x4xi32>
    %iota3A = tpu.iota {dimensions = array<i32: 1>} : vector<1024x1024xi32>
    %slice3A = vector.extract_strided_slice %get3A_1 {offsets = [0, 0], sizes = [1024, 1], strides = [1, 1]} : vector<1024x4xi32> to vector<1024x1xi32>
    %eq3A = vector.broadcast %slice3A : vector<1024x1xi32> to vector<1024x1024xi32>
    %eq3A_2 = arith.cmpi eq, %eq3A, %iota3A : vector<1024x1024xi32>
    %convert_element_type3A = arith.extui %eq3A_2 : vector<1024x1024xi1> to vector<1024x1024xi32>
    %convert_element_type3A_3 = arith.sitofp %convert_element_type3A : vector<1024x1024xi32> to vector<1024x1024xf32>
    %convert_element_type3A_4 = arith.truncf %convert_element_type3A_3 : vector<1024x1024xf32> to vector<1024x1024xbf16>
    %slice3A_5 = vector.extract_strided_slice %get3A_1 {offsets = [0, 1], sizes = [1024, 1], strides = [1, 1]} : vector<1024x4xi32> to vector<1024x1xi32>
    %eq3A_6 = vector.broadcast %slice3A_5 : vector<1024x1xi32> to vector<1024x1024xi32>
    %eq3A_7 = arith.cmpi eq, %eq3A_6, %iota3A : vector<1024x1024xi32>
    %convert_element_type3A_8 = arith.extui %eq3A_7 : vector<1024x1024xi1> to vector<1024x1024xi32>
    %convert_element_type3A_9 = arith.sitofp %convert_element_type3A_8 : vector<1024x1024xi32> to vector<1024x1024xf32>
    %convert_element_type3A_10 = arith.truncf %convert_element_type3A_9 : vector<1024x1024xf32> to vector<1024x1024xbf16>
    %add3A = arith.addf %convert_element_type3A_4, %convert_element_type3A_10 : vector<1024x1024xbf16>
    %slice3A_11 = vector.extract_strided_slice %get3A_1 {offsets = [0, 2], sizes = [1024, 1], strides = [1, 1]} : vector<1024x4xi32> to vector<1024x1xi32>
    %eq3A_12 = vector.broadcast %slice3A_11 : vector<1024x1xi32> to vector<1024x1024xi32>
    %eq3A_13 = arith.cmpi eq, %eq3A_12, %iota3A : vector<1024x1024xi32>
    %convert_element_type3A_14 = arith.extui %eq3A_13 : vector<1024x1024xi1> to vector<1024x1024xi32>
    %convert_element_type3A_15 = arith.sitofp %convert_element_type3A_14 : vector<1024x1024xi32> to vector<1024x1024xf32>
    %convert_element_type3A_16 = arith.truncf %convert_element_type3A_15 : vector<1024x1024xf32> to vector<1024x1024xbf16>
    %add3A_17 = arith.addf %add3A, %convert_element_type3A_16 : vector<1024x1024xbf16>
    %slice3A_18 = vector.extract_strided_slice %get3A_1 {offsets = [0, 3], sizes = [1024, 1], strides = [1, 1]} : vector<1024x4xi32> to vector<1024x1xi32>
    %eq3A_19 = vector.broadcast %slice3A_18 : vector<1024x1xi32> to vector<1024x1024xi32>
    %eq3A_20 = arith.cmpi eq, %eq3A_19, %iota3A : vector<1024x1024xi32>
    %convert_element_type3A_21 = arith.extui %eq3A_20 : vector<1024x1024xi1> to vector<1024x1024xi32>
    %convert_element_type3A_22 = arith.sitofp %convert_element_type3A_21 : vector<1024x1024xi32> to vector<1024x1024xf32>
    %convert_element_type3A_23 = arith.truncf %convert_element_type3A_22 : vector<1024x1024xf32> to vector<1024x1024xbf16>
    %add3A_24 = arith.addf %add3A_17, %convert_element_type3A_23 : vector<1024x1024xbf16>
    %get3A_25 = arith.constant 0 : index
    %get3A_26 = arith.constant 0 : index
    %get3A_27 = vector.load %arg6[%get3A_25, %get3A_26] : memref<1024x128xbf16, #tpu.memory_space<vmem>>, vector<1024x128xbf16>
    %dot_general3A = arith.constant dense<0.000000e+00> : vector<1024x128xf32>
    %dot_general3A_28 = tpu.matmul %add3A_24, %get3A_27, %dot_general3A {dimension_numbers = #tpu.dot_dimension_numbers<[1], [0], [0], [1], [0, 0, 1, 1], [], []>, transpose_lhs_hint = false} : vector<1024x1024xbf16>, vector<1024x128xbf16>, vector<1024x128xf32> -> vector<1024x128xf32>
    %mul3A = arith.constant 2.500000e-01 : f32
    %mul3A_29 = vector.broadcast %mul3A : f32 to vector<1024x128xf32>
    %mul3A_30 = arith.mulf %dot_general3A_28, %mul3A_29 : vector<1024x128xf32>
    %max3A = arith.constant 0.000000e+00 : f32
    %max3A_31 = vector.broadcast %max3A : f32 to vector<1024x128xf32>
    %max3A_32 = arith.maximumf %mul3A_30, %max3A_31 : vector<1024x128xf32>
    %get3A_33 = arith.constant 0 : index
    %get3A_34 = arith.constant 0 : index
    %get3A_35 = vector.load %arg3[%get3A_33, %get3A_34] : memref<1024x1xi32, #tpu.memory_space<vmem>>, vector<1024x1xi32>
    %eq3A_36 = arith.constant 0 : i32
    %eq3A_37 = vector.broadcast %eq3A_36 : i32 to vector<1024x1xi32>
    %eq3A_38 = arith.cmpi eq, %get3A_35, %eq3A_37 : vector<1024x1xi32>
    %get3A_39 = arith.constant 0 : index
    %get3A_40 = arith.constant 0 : index
    %get3A_41 = vector.load %arg7[%get3A_39, %get3A_40] : memref<2x128xf32, #tpu.memory_space<vmem>>, vector<1x128xf32>
    %get3A_42 = arith.constant 1 : index
    %get3A_43 = arith.constant 0 : index
    %get3A_44 = vector.load %arg7[%get3A_42, %get3A_43] : memref<2x128xf32, #tpu.memory_space<vmem>>, vector<1x128xf32>
    %broadcast_in_dim3A = vector.shape_cast %eq3A_38 : vector<1024x1xi1> to vector<1024x1xi1>
    %broadcast_in_dim3A_45 = vector.broadcast %broadcast_in_dim3A : vector<1024x1xi1> to vector<1024x128xi1>
    %broadcast_in_dim3A_46 = vector.shape_cast %get3A_41 : vector<1x128xf32> to vector<1x128xf32>
    %broadcast_in_dim3A_47 = vector.broadcast %broadcast_in_dim3A_46 : vector<1x128xf32> to vector<1024x128xf32>
    %broadcast_in_dim3A_48 = vector.shape_cast %get3A_44 : vector<1x128xf32> to vector<1x128xf32>
    %broadcast_in_dim3A_49 = vector.broadcast %broadcast_in_dim3A_48 : vector<1x128xf32> to vector<1024x128xf32>
    %select_n3A = arith.select %broadcast_in_dim3A_45, %broadcast_in_dim3A_47, %broadcast_in_dim3A_49 : vector<1024x128xi1>, vector<1024x128xf32>
    %max3A_50 = arith.constant 0.000000e+00 : f32
    %max3A_51 = vector.broadcast %max3A_50 : f32 to vector<1024x128xf32>
    %max3A_52 = arith.maximumf %select_n3A, %max3A_51 : vector<1024x128xf32>
    %add3A_53 = arith.addf %max3A_32, %max3A_52 : vector<1024x128xf32>
    %get3A_54 = arith.constant 0 : index
    %get3A_55 = arith.constant 0 : index
    %get3A_56 = vector.load %arg4[%get3A_54, %get3A_55] : memref<1024x9xi32, #tpu.memory_space<vmem>>, vector<1024x9xi32>
    %iota3A_57 = tpu.iota {dimensions = array<i32: 1>} : vector<1x16xi32>
    %slice3A_58 = vector.extract_strided_slice %get3A_56 {offsets = [0, 0], sizes = [1024, 1], strides = [1, 1]} : vector<1024x9xi32> to vector<1024x1xi32>
    %shift_right_arithmetic3A = vector.broadcast %slice3A_58 : vector<1024x1xi32> to vector<1024x16xi32>
    %shift_right_arithmetic3A_59 = vector.broadcast %iota3A_57 : vector<1x16xi32> to vector<1024x16xi32>
    %shift_right_arithmetic3A_60 = arith.shrsi %shift_right_arithmetic3A, %shift_right_arithmetic3A_59 : vector<1024x16xi32>
    %and3A = arith.constant 1 : i32
    %and3A_61 = vector.broadcast %and3A : i32 to vector<1024x16xi32>
    %and3A_62 = arith.andi %shift_right_arithmetic3A_60, %and3A_61 : vector<1024x16xi32>
    %convert_element_type3A_63 = arith.sitofp %and3A_62 : vector<1024x16xi32> to vector<1024x16xf32>
    %get3A_64 = arith.constant 0 : index
    %get3A_65 = arith.constant 0 : index
    %get3A_66 = vector.load %arg8[%get3A_64, %get3A_65] : memref<144x128xf32, #tpu.memory_space<vmem>>, vector<16x128xf32>
    %dot_general3A_67 = arith.constant dense<0.000000e+00> : vector<1024x128xf32>
    %dot_general3A_68 = tpu.matmul %convert_element_type3A_63, %get3A_66, %dot_general3A_67 {dimension_numbers = #tpu.dot_dimension_numbers<[1], [0], [0], [1], [0, 0, 1, 1], [], []>, transpose_lhs_hint = false} : vector<1024x16xf32>, vector<16x128xf32>, vector<1024x128xf32> -> vector<1024x128xf32>
    %add3A_69 = arith.addf %add3A_53, %dot_general3A_68 : vector<1024x128xf32>
    %slice3A_70 = vector.extract_strided_slice %get3A_56 {offsets = [0, 1], sizes = [1024, 1], strides = [1, 1]} : vector<1024x9xi32> to vector<1024x1xi32>
    %shift_right_arithmetic3A_71 = vector.broadcast %slice3A_70 : vector<1024x1xi32> to vector<1024x16xi32>
    %shift_right_arithmetic3A_72 = vector.broadcast %iota3A_57 : vector<1x16xi32> to vector<1024x16xi32>
    %shift_right_arithmetic3A_73 = arith.shrsi %shift_right_arithmetic3A_71, %shift_right_arithmetic3A_72 : vector<1024x16xi32>
    %and3A_74 = arith.constant 1 : i32
    %and3A_75 = vector.broadcast %and3A_74 : i32 to vector<1024x16xi32>
    %and3A_76 = arith.andi %shift_right_arithmetic3A_73, %and3A_75 : vector<1024x16xi32>
    %convert_element_type3A_77 = arith.sitofp %and3A_76 : vector<1024x16xi32> to vector<1024x16xf32>
    %get3A_78 = arith.constant 16 : index
    %get3A_79 = arith.constant 0 : index
    %get3A_80 = vector.load %arg8[%get3A_78, %get3A_79] : memref<144x128xf32, #tpu.memory_space<vmem>>, vector<16x128xf32>
    %dot_general3A_81 = arith.constant dense<0.000000e+00> : vector<1024x128xf32>
    %dot_general3A_82 = tpu.matmul %convert_element_type3A_77, %get3A_80, %dot_general3A_81 {dimension_numbers = #tpu.dot_dimension_numbers<[1], [0], [0], [1], [0, 0, 1, 1], [], []>, transpose_lhs_hint = false} : vector<1024x16xf32>, vector<16x128xf32>, vector<1024x128xf32> -> vector<1024x128xf32>
    %add3A_83 = arith.addf %add3A_69, %dot_general3A_82 : vector<1024x128xf32>
    %slice3A_84 = vector.extract_strided_slice %get3A_56 {offsets = [0, 2], sizes = [1024, 1], strides = [1, 1]} : vector<1024x9xi32> to vector<1024x1xi32>
    %shift_right_arithmetic3A_85 = vector.broadcast %slice3A_84 : vector<1024x1xi32> to vector<1024x16xi32>
    %shift_right_arithmetic3A_86 = vector.broadcast %iota3A_57 : vector<1x16xi32> to vector<1024x16xi32>
    %shift_right_arithmetic3A_87 = arith.shrsi %shift_right_arithmetic3A_85, %shift_right_arithmetic3A_86 : vector<1024x16xi32>
    %and3A_88 = arith.constant 1 : i32
    %and3A_89 = vector.broadcast %and3A_88 : i32 to vector<1024x16xi32>
    %and3A_90 = arith.andi %shift_right_arithmetic3A_87, %and3A_89 : vector<1024x16xi32>
    %convert_element_type3A_91 = arith.sitofp %and3A_90 : vector<1024x16xi32> to vector<1024x16xf32>
    %get3A_92 = arith.constant 32 : index
    %get3A_93 = arith.constant 0 : index
    %get3A_94 = vector.load %arg8[%get3A_92, %get3A_93] : memref<144x128xf32, #tpu.memory_space<vmem>>, vector<16x128xf32>
    %dot_general3A_95 = arith.constant dense<0.000000e+00> : vector<1024x128xf32>
    %dot_general3A_96 = tpu.matmul %convert_element_type3A_91, %get3A_94, %dot_general3A_95 {dimension_numbers = #tpu.dot_dimension_numbers<[1], [0], [0], [1], [0, 0, 1, 1], [], []>, transpose_lhs_hint = false} : vector<1024x16xf32>, vector<16x128xf32>, vector<1024x128xf32> -> vector<1024x128xf32>
    %add3A_97 = arith.addf %add3A_83, %dot_general3A_96 : vector<1024x128xf32>
    %slice3A_98 = vector.extract_strided_slice %get3A_56 {offsets = [0, 3], sizes = [1024, 1], strides = [1, 1]} : vector<1024x9xi32> to vector<1024x1xi32>
    %shift_right_arithmetic3A_99 = vector.broadcast %slice3A_98 : vector<1024x1xi32> to vector<1024x16xi32>
    %shift_right_arithmetic3A_100 = vector.broadcast %iota3A_57 : vector<1x16xi32> to vector<1024x16xi32>
    %shift_right_arithmetic3A_101 = arith.shrsi %shift_right_arithmetic3A_99, %shift_right_arithmetic3A_100 : vector<1024x16xi32>
    %and3A_102 = arith.constant 1 : i32
    %and3A_103 = vector.broadcast %and3A_102 : i32 to vector<1024x16xi32>
    %and3A_104 = arith.andi %shift_right_arithmetic3A_101, %and3A_103 : vector<1024x16xi32>
    %convert_element_type3A_105 = arith.sitofp %and3A_104 : vector<1024x16xi32> to vector<1024x16xf32>
    %get3A_106 = arith.constant 48 : index
    %get3A_107 = arith.constant 0 : index
    %get3A_108 = vector.load %arg8[%get3A_106, %get3A_107] : memref<144x128xf32, #tpu.memory_space<vmem>>, vector<16x128xf32>
    %dot_general3A_109 = arith.constant dense<0.000000e+00> : vector<1024x128xf32>
    %dot_general3A_110 = tpu.matmul %convert_element_type3A_105, %get3A_108, %dot_general3A_109 {dimension_numbers = #tpu.dot_dimension_numbers<[1], [0], [0], [1], [0, 0, 1, 1], [], []>, transpose_lhs_hint = false} : vector<1024x16xf32>, vector<16x128xf32>, vector<1024x128xf32> -> vector<1024x128xf32>
    %add3A_111 = arith.addf %add3A_97, %dot_general3A_110 : vector<1024x128xf32>
    %slice3A_112 = vector.extract_strided_slice %get3A_56 {offsets = [0, 4], sizes = [1024, 1], strides = [1, 1]} : vector<1024x9xi32> to vector<1024x1xi32>
    %shift_right_arithmetic3A_113 = vector.broadcast %slice3A_112 : vector<1024x1xi32> to vector<1024x16xi32>
    %shift_right_arithmetic3A_114 = vector.broadcast %iota3A_57 : vector<1x16xi32> to vector<1024x16xi32>
    %shift_right_arithmetic3A_115 = arith.shrsi %shift_right_arithmetic3A_113, %shift_right_arithmetic3A_114 : vector<1024x16xi32>
    %and3A_116 = arith.constant 1 : i32
    %and3A_117 = vector.broadcast %and3A_116 : i32 to vector<1024x16xi32>
    %and3A_118 = arith.andi %shift_right_arithmetic3A_115, %and3A_117 : vector<1024x16xi32>
    %convert_element_type3A_119 = arith.sitofp %and3A_118 : vector<1024x16xi32> to vector<1024x16xf32>
    %get3A_120 = arith.constant 64 : index
    %get3A_121 = arith.constant 0 : index
    %get3A_122 = vector.load %arg8[%get3A_120, %get3A_121] : memref<144x128xf32, #tpu.memory_space<vmem>>, vector<16x128xf32>
    %dot_general3A_123 = arith.constant dense<0.000000e+00> : vector<1024x128xf32>
    %dot_general3A_124 = tpu.matmul %convert_element_type3A_119, %get3A_122, %dot_general3A_123 {dimension_numbers = #tpu.dot_dimension_numbers<[1], [0], [0], [1], [0, 0, 1, 1], [], []>, transpose_lhs_hint = false} : vector<1024x16xf32>, vector<16x128xf32>, vector<1024x128xf32> -> vector<1024x128xf32>
    %add3A_125 = arith.addf %add3A_111, %dot_general3A_124 : vector<1024x128xf32>
    %slice3A_126 = vector.extract_strided_slice %get3A_56 {offsets = [0, 5], sizes = [1024, 1], strides = [1, 1]} : vector<1024x9xi32> to vector<1024x1xi32>
    %shift_right_arithmetic3A_127 = vector.broadcast %slice3A_126 : vector<1024x1xi32> to vector<1024x16xi32>
    %shift_right_arithmetic3A_128 = vector.broadcast %iota3A_57 : vector<1x16xi32> to vector<1024x16xi32>
    %shift_right_arithmetic3A_129 = arith.shrsi %shift_right_arithmetic3A_127, %shift_right_arithmetic3A_128 : vector<1024x16xi32>
    %and3A_130 = arith.constant 1 : i32
    %and3A_131 = vector.broadcast %and3A_130 : i32 to vector<1024x16xi32>
    %and3A_132 = arith.andi %shift_right_arithmetic3A_129, %and3A_131 : vector<1024x16xi32>
    %convert_element_type3A_133 = arith.sitofp %and3A_132 : vector<1024x16xi32> to vector<1024x16xf32>
    %get3A_134 = arith.constant 80 : index
    %get3A_135 = arith.constant 0 : index
    %get3A_136 = vector.load %arg8[%get3A_134, %get3A_135] : memref<144x128xf32, #tpu.memory_space<vmem>>, vector<16x128xf32>
    %dot_general3A_137 = arith.constant dense<0.000000e+00> : vector<1024x128xf32>
    %dot_general3A_138 = tpu.matmul %convert_element_type3A_133, %get3A_136, %dot_general3A_137 {dimension_numbers = #tpu.dot_dimension_numbers<[1], [0], [0], [1], [0, 0, 1, 1], [], []>, transpose_lhs_hint = false} : vector<1024x16xf32>, vector<16x128xf32>, vector<1024x128xf32> -> vector<1024x128xf32>
    %add3A_139 = arith.addf %add3A_125, %dot_general3A_138 : vector<1024x128xf32>
    %slice3A_140 = vector.extract_strided_slice %get3A_56 {offsets = [0, 6], sizes = [1024, 1], strides = [1, 1]} : vector<1024x9xi32> to vector<1024x1xi32>
    %shift_right_arithmetic3A_141 = vector.broadcast %slice3A_140 : vector<1024x1xi32> to vector<1024x16xi32>
    %shift_right_arithmetic3A_142 = vector.broadcast %iota3A_57 : vector<1x16xi32> to vector<1024x16xi32>
    %shift_right_arithmetic3A_143 = arith.shrsi %shift_right_arithmetic3A_141, %shift_right_arithmetic3A_142 : vector<1024x16xi32>
    %and3A_144 = arith.constant 1 : i32
    %and3A_145 = vector.broadcast %and3A_144 : i32 to vector<1024x16xi32>
    %and3A_146 = arith.andi %shift_right_arithmetic3A_143, %and3A_145 : vector<1024x16xi32>
    %convert_element_type3A_147 = arith.sitofp %and3A_146 : vector<1024x16xi32> to vector<1024x16xf32>
    %get3A_148 = arith.constant 96 : index
    %get3A_149 = arith.constant 0 : index
    %get3A_150 = vector.load %arg8[%get3A_148, %get3A_149] : memref<144x128xf32, #tpu.memory_space<vmem>>, vector<16x128xf32>
    %dot_general3A_151 = arith.constant dense<0.000000e+00> : vector<1024x128xf32>
    %dot_general3A_152 = tpu.matmul %convert_element_type3A_147, %get3A_150, %dot_general3A_151 {dimension_numbers = #tpu.dot_dimension_numbers<[1], [0], [0], [1], [0, 0, 1, 1], [], []>, transpose_lhs_hint = false} : vector<1024x16xf32>, vector<16x128xf32>, vector<1024x128xf32> -> vector<1024x128xf32>
    %add3A_153 = arith.addf %add3A_139, %dot_general3A_152 : vector<1024x128xf32>
    %slice3A_154 = vector.extract_strided_slice %get3A_56 {offsets = [0, 7], sizes = [1024, 1], strides = [1, 1]} : vector<1024x9xi32> to vector<1024x1xi32>
    %shift_right_arithmetic3A_155 = vector.broadcast %slice3A_154 : vector<1024x1xi32> to vector<1024x16xi32>
    %shift_right_arithmetic3A_156 = vector.broadcast %iota3A_57 : vector<1x16xi32> to vector<1024x16xi32>
    %shift_right_arithmetic3A_157 = arith.shrsi %shift_right_arithmetic3A_155, %shift_right_arithmetic3A_156 : vector<1024x16xi32>
    %and3A_158 = arith.constant 1 : i32
    %and3A_159 = vector.broadcast %and3A_158 : i32 to vector<1024x16xi32>
    %and3A_160 = arith.andi %shift_right_arithmetic3A_157, %and3A_159 : vector<1024x16xi32>
    %convert_element_type3A_161 = arith.sitofp %and3A_160 : vector<1024x16xi32> to vector<1024x16xf32>
    %get3A_162 = arith.constant 112 : index
    %get3A_163 = arith.constant 0 : index
    %get3A_164 = vector.load %arg8[%get3A_162, %get3A_163] : memref<144x128xf32, #tpu.memory_space<vmem>>, vector<16x128xf32>
    %dot_general3A_165 = arith.constant dense<0.000000e+00> : vector<1024x128xf32>
    %dot_general3A_166 = tpu.matmul %convert_element_type3A_161, %get3A_164, %dot_general3A_165 {dimension_numbers = #tpu.dot_dimension_numbers<[1], [0], [0], [1], [0, 0, 1, 1], [], []>, transpose_lhs_hint = false} : vector<1024x16xf32>, vector<16x128xf32>, vector<1024x128xf32> -> vector<1024x128xf32>
    %add3A_167 = arith.addf %add3A_153, %dot_general3A_166 : vector<1024x128xf32>
    %slice3A_168 = vector.extract_strided_slice %get3A_56 {offsets = [0, 8], sizes = [1024, 1], strides = [1, 1]} : vector<1024x9xi32> to vector<1024x1xi32>
    %shift_right_arithmetic3A_169 = vector.broadcast %slice3A_168 : vector<1024x1xi32> to vector<1024x16xi32>
    %shift_right_arithmetic3A_170 = vector.broadcast %iota3A_57 : vector<1x16xi32> to vector<1024x16xi32>
    %shift_right_arithmetic3A_171 = arith.shrsi %shift_right_arithmetic3A_169, %shift_right_arithmetic3A_170 : vector<1024x16xi32>
    %and3A_172 = arith.constant 1 : i32
    %and3A_173 = vector.broadcast %and3A_172 : i32 to vector<1024x16xi32>
    %and3A_174 = arith.andi %shift_right_arithmetic3A_171, %and3A_173 : vector<1024x16xi32>
    %convert_element_type3A_175 = arith.sitofp %and3A_174 : vector<1024x16xi32> to vector<1024x16xf32>
    %get3A_176 = arith.constant 128 : index
    %get3A_177 = arith.constant 0 : index
    %get3A_178 = vector.load %arg8[%get3A_176, %get3A_177] : memref<144x128xf32, #tpu.memory_space<vmem>>, vector<16x128xf32>
    %dot_general3A_179 = arith.constant dense<0.000000e+00> : vector<1024x128xf32>
    %dot_general3A_180 = tpu.matmul %convert_element_type3A_175, %get3A_178, %dot_general3A_179 {dimension_numbers = #tpu.dot_dimension_numbers<[1], [0], [0], [1], [0, 0, 1, 1], [], []>, transpose_lhs_hint = false} : vector<1024x16xf32>, vector<16x128xf32>, vector<1024x128xf32> -> vector<1024x128xf32>
    %add3A_181 = arith.addf %add3A_167, %dot_general3A_180 : vector<1024x128xf32>
    %get3A_182 = arith.constant 0 : index
    %get3A_183 = arith.constant 0 : index
    %get3A_184 = arith.constant 0 : index
    %get3A_185 = vector.load %arg1[%get3A_182, %get3A_183, %get3A_184] : memref<3x1024x128xf32, #tpu.memory_space<vmem>>, vector<3x1024x128xf32>
    %slice3A_186 = vector.extract_strided_slice %get3A_185 {offsets = [0, 0, 0], sizes = [1, 1024, 128], strides = [1, 1, 1]} : vector<3x1024x128xf32> to vector<1x1024x128xf32>
    %squeeze3A = vector.shape_cast %slice3A_186 : vector<1x1024x128xf32> to vector<1024x128xf32>
    %max3A_187 = arith.constant 0.000000e+00 : f32
    %max3A_188 = vector.broadcast %max3A_187 : f32 to vector<1024x128xf32>
    %max3A_189 = arith.maximumf %squeeze3A, %max3A_188 : vector<1024x128xf32>
    %slice3A_190 = vector.extract_strided_slice %get3A_185 {offsets = [1, 0, 0], sizes = [1, 1024, 128], strides = [1, 1, 1]} : vector<3x1024x128xf32> to vector<1x1024x128xf32>
    %squeeze3A_191 = vector.shape_cast %slice3A_190 : vector<1x1024x128xf32> to vector<1024x128xf32>
    %max3A_192 = arith.constant 0.000000e+00 : f32
    %max3A_193 = vector.broadcast %max3A_192 : f32 to vector<1024x128xf32>
    %max3A_194 = arith.maximumf %squeeze3A_191, %max3A_193 : vector<1024x128xf32>
    %add3A_195 = arith.addf %max3A_189, %max3A_194 : vector<1024x128xf32>
    %add3A_196 = arith.addf %add3A_181, %add3A_195 : vector<1024x128xf32>
    %slice3A_197 = vector.extract_strided_slice %get3A_185 {offsets = [2, 0, 0], sizes = [1, 1024, 128], strides = [1, 1, 1]} : vector<3x1024x128xf32> to vector<1x1024x128xf32>
    %squeeze3A_198 = vector.shape_cast %slice3A_197 : vector<1x1024x128xf32> to vector<1024x128xf32>
    %max3A_199 = arith.constant 0.000000e+00 : f32
    %max3A_200 = vector.broadcast %max3A_199 : f32 to vector<1024x128xf32>
    %max3A_201 = arith.maximumf %squeeze3A_198, %max3A_200 : vector<1024x128xf32>
    %add3A_202 = arith.addf %add3A_196, %max3A_201 : vector<1024x128xf32>
    %get3A_203 = arith.constant 0 : index
    %get3A_204 = arith.constant 0 : index
    %get3A_205 = vector.load %arg9[%get3A_203, %get3A_204] : memref<128x128xf32, #tpu.memory_space<vmem>>, vector<128x128xf32>
    %dot_general3A_206 = arith.constant dense<0.000000e+00> : vector<1024x128xf32>
    %dot_general3A_207 = tpu.matmul %add3A_202, %get3A_205, %dot_general3A_206 {dimension_numbers = #tpu.dot_dimension_numbers<[1], [0], [0], [1], [0, 0, 1, 1], [], []>, transpose_lhs_hint = false} : vector<1024x128xf32>, vector<128x128xf32>, vector<1024x128xf32> -> vector<1024x128xf32>
    %get3A_208 = arith.constant 0 : index
    %get3A_209 = arith.constant 0 : index
    %get3A_210 = vector.load %arg10[%get3A_208, %get3A_209] : memref<1x128xf32, #tpu.memory_space<vmem>>, vector<1x128xf32>
    %add3A_211 = vector.broadcast %get3A_210 : vector<1x128xf32> to vector<1024x128xf32>
    %add3A_212 = arith.addf %dot_general3A_207, %add3A_211 : vector<1024x128xf32>
    %max3A_213 = arith.constant 0.000000e+00 : f32
    %max3A_214 = vector.broadcast %max3A_213 : f32 to vector<1024x128xf32>
    %max3A_215 = arith.maximumf %add3A_212, %max3A_214 : vector<1024x128xf32>
    %get3A_216 = arith.constant 0 : index
    %get3A_217 = arith.constant 0 : index
    %get3A_218 = vector.load %arg5[%get3A_216, %get3A_217] : memref<1024x1xi32, #tpu.memory_space<vmem>>, vector<1024x1xi32>
    %ne3A = arith.constant 0 : i32
    %ne3A_219 = vector.broadcast %ne3A : i32 to vector<1024x1xi32>
    %ne3A_220 = arith.cmpi ne, %get3A_218, %ne3A_219 : vector<1024x1xi32>
    %jit3A = arith.constant 0.000000e+00 : f32
    %broadcast_in_dim3A_221 = vector.shape_cast %ne3A_220 : vector<1024x1xi1> to vector<1024x1xi1>
    %broadcast_in_dim3A_222 = vector.broadcast %broadcast_in_dim3A_221 : vector<1024x1xi1> to vector<1024x128xi1>
    %broadcast_in_dim3A_223 = vector.broadcast %jit3A : f32 to vector<1024x128xf32>
    %select_n3A_224 = arith.select %broadcast_in_dim3A_222, %max3A_215, %broadcast_in_dim3A_223 : vector<1024x128xi1>, vector<1024x128xf32>
    %swap3A = arith.constant 0 : index
    %swap3A_225 = arith.constant 0 : index
    %swap3A_226 = vector.load %arg11[%swap3A, %swap3A_225] : memref<1024x128xf32, #tpu.memory_space<vmem>>, vector<1024x128xf32>
    tpu.vector_store %arg11[%swap3A, %swap3A_225], %select_n3A_224 {strides = array<i32>} : memref<1024x128xf32, #tpu.memory_space<vmem>>, vector<1024x128xf32>,
    return
  }
  func.func @transform_0(%arg0: i32) -> (i32, i32, i32) {
    %c0_i32 = arith.constant 0 : i32
    %c0_i32_0 = arith.constant 0 : i32
    %c0_i32_1 = arith.constant 0 : i32
    return %c0_i32, %arg0, %c0_i32_0 : i32, i32, i32
  }
  func.func @transform_1(%arg0: i32) -> (i32, i32) {
    %c0_i32 = arith.constant 0 : i32
    %c0_i32_0 = arith.constant 0 : i32
    return %arg0, %c0_i32 : i32, i32
  }
  func.func @transform_2(%arg0: i32) -> (i32, i32) {
    %c0_i32 = arith.constant 0 : i32
    %c0_i32_0 = arith.constant 0 : i32
    return %arg0, %c0_i32 : i32, i32
  }
  func.func @transform_3(%arg0: i32) -> (i32, i32) {
    %c0_i32 = arith.constant 0 : i32
    %c0_i32_0 = arith.constant 0 : i32
    return %arg0, %c0_i32 : i32, i32
  }
  func.func @transform_4(%arg0: i32) -> (i32, i32) {
    %c0_i32 = arith.constant 0 : i32
    %c0_i32_0 = arith.constant 0 : i32
    return %arg0, %c0_i32 : i32, i32
  }
  func.func @transform_5(%arg0: i32) -> (i32, i32) {
    %c0_i32 = arith.constant 0 : i32
    %c0_i32_0 = arith.constant 0 : i32
    %c0_i32_1 = arith.constant 0 : i32
    return %c0_i32, %c0_i32_0 : i32, i32
  }
  func.func @transform_6(%arg0: i32) -> (i32, i32) {
    %c0_i32 = arith.constant 0 : i32
    %c0_i32_0 = arith.constant 0 : i32
    %c0_i32_1 = arith.constant 0 : i32
    return %c0_i32, %c0_i32_0 : i32, i32
  }
  func.func @transform_7(%arg0: i32) -> (i32, i32) {
    %c0_i32 = arith.constant 0 : i32
    %c0_i32_0 = arith.constant 0 : i32
    %c0_i32_1 = arith.constant 0 : i32
    return %c0_i32, %c0_i32_0 : i32, i32
  }
  func.func @transform_8(%arg0: i32) -> (i32, i32) {
    %c0_i32 = arith.constant 0 : i32
    %c0_i32_0 = arith.constant 0 : i32
    %c0_i32_1 = arith.constant 0 : i32
    return %c0_i32, %c0_i32_0 : i32, i32
  }
  func.func @transform_9(%arg0: i32) -> (i32, i32) {
    %c0_i32 = arith.constant 0 : i32
    %c0_i32_0 = arith.constant 0 : i32
    %c0_i32_1 = arith.constant 0 : i32
    return %c0_i32, %c0_i32_0 : i32, i32
  }
  func.func @transform_10(%arg0: i32) -> (i32, i32) {
    %c0_i32 = arith.constant 0 : i32
    %c0_i32_0 = arith.constant 0 : i32
    return %arg0, %c0_i32 : i32, i32
  }
}

</mosaic_0001>

<sc_bundles>
// kernel: kernel.4.cloned.1.call-start
scs
__scs_entry_jumppad:
0x0: {  	(pc) =	sbr.rel $0x88, $3  }
0x1: {  	(tag) =	ssettag $0x0;
	lr =	simm.s32 $0x1  }
0x2: {  	[smem:$0x3F93] =	sst lr;
	_ =	strace $0xD0000000  }
0x3: {  	_ = 	snop  }
0x4: {  	_ = 	snop  }
0x5: {  	_ = 	snop  }
0x6: {  	_ = 	snop  }
0x7: {  	_ = 	snop  }
__scs_overlays_trampoline_lowered:
0x8: {  	[smem:$0x3FA2] =	sst s0  }
0x9: {  	[smem:$0x3FA3] =	sst s1  }
0xa: {  	[smem:$0x3FA4] =	sst s2  }
0xb: {  	[smem:$0x3FA5] =	sst s3  }
0xc: {  	[smem:$0x3FA6] =	sst s4  }
0xd: {  	[smem:$0x3FA7] =	sst s5  }
0xe: {  	[smem:$0x3FA8] =	sst s6  }
0xf: {  	[smem:$0x3FA9] =	sst s7  }
0x10: {  	[smem:$0x3FAA] =	sst s8  }
0x11: {  	[smem:$0x3FAB] =	sst s9;
	s0 =	simm.s32 @!p0 $0x0  }
0x12: {  	s1 =	sld [smem:$0x3F91];
	s0 =	simm.s32 @p0 $0x1  }
0x13: {  	[smem:$0x3FAC] =	sst s0;
	s0 =	simm.s32 @!p1 $0x0  }
0x14: {  	s2 =	sld [smem:$0x3F90];
	s0 =	simm.s32 @p1 $0x1  }
0x15: {  	[smem:$0x3FAD] =	sst s0;
	s0 =	simm.s32 @!p2 $0x0  }
0x16: {  	s3 =	sld [smem:$0x3FDB];
	s0 =	simm.s32 @p2 $0x1  }
0x17: {  	s4 =	simm.s32 $0x1BF5;
	[smem:$0x3FAF] =	sst s0  }
0x18: {  	s0 =	sld [smem:$0x3F92];
	_ =	swait.ge [sflag:s4], $0x0  }
0x19: {  	s7 =	sld [smem:$0x3F93]  }
0x1a: {  	s8 =	sadd.s32 $0xFFFFE003, lr  }
0x1b: {  	s9 =	sadd.s32 $0xFFFFFEF7, lr;
	s5 =	simm.s32 $0xFFFFFFFF;
	p2 =	slt.u32 s8, $0xFFFFF086  }
0x1c: {  	p1 =	slt.u32 s9, $0xF7A;
	s5 =	simm.s32 @!p2 $0x0  }
0x1d: {  	s5 =	simm.s32 @p1 $0x1;
	p0 =	seq.s32 s7, s2  }
0x1e: {  	s7 =	smul.u32 @!p0 $0xF7A, s2;
	p2 =	seq.s32 @!p0 s5, $0x0  }
0x1f: {  	s9 =	smul.u32 $0xF7A, s1;
	s8 =	simm.s32 @!p0 $0x1BF5;
	p2 =	por !p2, p0  }
0x20: {  	[sflag:s8] =	ssyncset.s32 @!p0 $0xFFFFF086;
	s6 =	sadd.s32 @!p0 s3, s7;
	s7 =	simm.s32 @!p0 $0x108  }
0x21: {  	s3 =	sadd.s32 s3, s9;
	s6 =	sadd.s32 @!p0 $0x88, s6;
	s7 =	simm.s32 @p2 $0x1082  }
0x22: {  	[simem:s7], [sflag:s8] =	dma.local @!p0 [hbm:s6], $0xF7A  }
0x23: {  	s9 =	sor.u32 $0xD0000000, s2;
	s6 =	simm.s32 $0x108;
	_ =	swait.ge @!p0 [sflag:s8], $0x0  }
0x24: {  	s3 =	sadd.s32 $0x88, s3;
	s6 =	simm.s32 @!p1 $0x1082;
	[sflag:s4] =	ssyncset.s32 $0xFFFFF086  }
0x25: {  	[simem:s6], [sflag:s4] =	dma.local [hbm:s3], $0xF7A  }
0x26: {  	[smem:$0x3F93] =	sst s1;
	(tag) =	ssettag s2;
	_ =	strace s9  }
0x27: {  	s1 =	sld [smem:$0x3FA3]  }
0x28: {  	s2 =	sld [smem:$0x3FA4]  }
0x29: {  	s4 =	sld [smem:$0x3FA6]  }
0x2a: {  	p0 =	seq.s32 s5, $0x0;
	s5 =	sld [smem:$0x3FA7]  }
0x2b: {  	s6 =	sld [smem:$0x3FA8]  }
0x2c: {  	s7 =	sld [smem:$0x3FA9]  }
0x2d: {  	s3 =	simm.s32 $0x108;
	s8 =	sld [smem:$0x3FAA]  }
0x2e: {  	s3 =	simm.s32 @!p0 $0x1082;
	s9 =	sld [smem:$0x3FAB]  }
0x2f: {  	lr =	sadd.s32 s0, s3;
	s0 =	sld [smem:$0x3FA2]  }
0x30: {  	s3 =	sld [smem:$0x3FA5]  }
0x31: {  	[smem:$0x3FAE] =	sst s10  }
0x32: {  	s10 =	sld [smem:$0x3FAC];
	_ =	sdelay $0x3  }
0x33: {  	p0 =	seq.s32 s10, $0x1;
	s10 =	sld [smem:$0x3FAE];
	_ =	sdelay $0x3  }
0x34: {  	[smem:$0x3FAE] =	sst s10  }
0x35: {  	s10 =	sld [smem:$0x3FAD];
	_ =	sdelay $0x3  }
0x36: {  	p1 =	seq.s32 s10, $0x1;
	s10 =	sld [smem:$0x3FAE];
	_ =	sdelay $0x3  }
0x37: {  	[smem:$0x3FAE] =	sst s10  }
0x38: {  	s10 =	sld [smem:$0x3FAF]  }
0x39: {  	_ = 	snop;
	(pc) =	sbr.ind lr, $3  }
0x3a: {  	_ = 	snop  }
0x3b: {  	_ = 	snop  }
0x3c: {  	p2 =	seq.s32 s10, $0x1;
	s10 =	sld [smem:$0x3FAE]  }
0x3d: {  	_ =	shalt  }
0x3e: {  	_ =	shalt  }
0x3f: {  	_ =	shalt  }
0x40: {  	_ =	shalt  }
0x41: {  	_ =	shalt  }
0x42: {  	_ =	shalt  }
0x43: {  	_ =	shalt  }
0x44: {  	_ =	shalt  }
0x45: {  	_ =	shalt  }
0x46: {  	_ =	shalt  }
0x47: {  	_ =	shalt  }
0x48: {  	_ =	shalt  }
0x49: {  	_ =	shalt  }
0x4a: {  	_ =	shalt  }
0x4b: {  	_ =	shalt  }
0x4c: {  	_ =	shalt  }
0x4d: {  	_ =	shalt  }
0x4e: {  	_ =	shalt  }
0x4f: {  	_ =	shalt  }
0x50: {  	_ =	shalt  }
0x51: {  	_ =	shalt  }
0x52: {  	_ =	shalt  }
0x53: {  	_ =	shalt  }
0x54: {  	_ =	shalt  }
0x55: {  	_ =	shalt  }
0x56: {  	_ =	shalt  }
0x57: {  	_ =	shalt  }
0x58: {  	_ =	shalt  }
0x59: {  	_ =	shalt  }
0x5a: {  	_ =	shalt  }
0x5b: {  	_ =	shalt  }
0x5c: {  	_ =	shalt  }
0x5d: {  	_ =	shalt  }
0x5e: {  	_ =	shalt  }
0x5f: {  	_ =	shalt  }
0x60: {  	_ =	shalt  }
0x61: {  	_ =	shalt  }
0x62: {  	_ =	shalt  }
0x63: {  	_ =	shalt  }
0x64: {  	_ =	shalt  }
0x65: {  	_ =	shalt  }
0x66: {  	_ =	shalt  }
0x67: {  	_ =	shalt  }
0x68: {  	_ =	shalt  }
0x69: {  	_ =	shalt  }
0x6a: {  	_ =	shalt  }
0x6b: {  	_ =	shalt  }
0x6c: {  	_ =	shalt  }
0x6d: {  	_ =	shalt  }
0x6e: {  	_ =	shalt  }
0x6f: {  	_ =	shalt  }
0x70: {  	_ =	shalt  }
0x71: {  	_ =	shalt  }
0x72: {  	_ =	shalt  }
0x73: {  	_ =	shalt  }
0x74: {  	_ =	shalt  }
0x75: {  	_ =	shalt  }
0x76: {  	_ =	shalt  }
0x77: {  	_ =	shalt  }
0x78: {  	_ =	shalt  }
0x79: {  	_ =	shalt  }
0x7a: {  	_ =	shalt  }
0x7b: {  	_ =	shalt  }
0x7c: {  	_ =	shalt  }
0x7d: {  	_ =	shalt  }
0x7e: {  	_ =	shalt  }
0x7f: {  	_ =	shalt  }
0x80: {  	_ =	shalt  }
0x81: {  	_ =	shalt  }
0x82: {  	_ =	shalt  }
0x83: {  	_ =	shalt  }
0x84: {  	_ =	shalt  }
0x85: {  	_ =	shalt  }
0x86: {  	_ =	shalt  }
0x87: {  	_ =	shalt  }
.Lfunc_end0:
.L_simem_size_0:
called_computation_lowered:
.L_overlay_start_0:
0x88: {  	s2 =	sld [smem:$0x3FD9]  }
0x89: {  	s3 =	sld [smem:$0x3FFE];
	_ =	sdelay $0x1  }
0x8a: {  	s1 =	srdreg.scid  }
0x8b: {  	s0 =	sand.u32 $0x1, s1  }
0x8c: {  	s17 =	sshll.u32 s0, $0xA;
	s2 =	sadd.s32 s3, s2  }
0x8d: {  	s2 =	sadd.s32 s2, s17  }
0x8e: {  	[smem:$0x3FBA] =	sst s2  }
0x8f: {  	_ = 	snop  }
0x90: {  	s2 =	sld [smem:$0x3FC9]  }
0x91: {  	s18 =	sld [smem:$0x3FC8]  }
0x92: {  	s4 =	sld [smem:$0x3FC7]  }
0x93: {  	s5 =	sld [smem:$0x3FC3]  }
0x94: {  	s6 =	sld [smem:$0x3FC2]  }
0x95: {  	s7 =	sld [smem:$0x3FC1];
	(tm) =	ssettm $0x1  }
0x96: {  	s8 =	sld [smem:$0x3FFB];
	_ =	sdelay $0x3  }
0x97: {  	_ =	strace s8  }
0x98: {  	s8 =	sld [smem:$0x3FFC];
	_ =	sdelay $0x3  }
0x99: {  	_ =	strace s8  }
0x9a: {  	s8 =	sld [smem:$0x3FFD];
	_ =	sdelay $0x3  }
0x9b: {  	_ =	strace s8  }
0x9c: {  	_ =	strace $0x8FFFFFFF  }
0x9d: {  	s19 =	sld [smem:$0x3FDB];
	_ =	sdelay $0x1  }
0x9e: {  	s9 =	simm.s32 $_scs_section_size  }
0x9f: {  	s10 =	simm.s32 $_size__tile_overlayer_lowered;
	s11 =	simm.s32 $_tile_overlayer_lowered  }
0xa0: {  	s22 =	simm.s32 $0x1BFF;
	s21 =	sshll.u32 s11, $0x1;
	s8 =	sadd.s32 s9, s19  }
0xa1: {  	s12 =	simm.s32 $0x0;
	s20 =	sshll.u32 s10, $0x1;
	s10 =	sadd.s32 s21, s8  }
0xa2: {  	[timem:s12], [sflag:s22] =	dma.local [hbm:s10], s20  }
0xa3: {  	_ =	swait.ge [sflag:s22], s20  }
0xa4: {  	s9 =	ssub.s32 $0x0, s20;
	[sflag:s22] =	ssyncset.done $0x0  }
0xa5: {  	[sflag:s22] =	ssyncadd.s32 s9;
	_ =	sdelay $0x1  }
0xa6: {  	s23 =	simm.s32 $0x1B8B  }
0xa7: {  	_ =	swait.ge [sflag:s23], $0x1  }
0xa8: {  	[sflag:s23] =	ssyncset.done $0x0  }
0xa9: {  	s25 =	simm.s32 $0x1B8E;
	s24 =	sld [smem:$0x3FFE];
	[sflag:s23] =	ssyncadd.s32 $0xFFFFFFFF  }
0xaa: {  	s26 =	simm.s32 $execute0_lowered;
	[smem:$0x3FD2] =	sst s25  }
0xab: {  	s10 =	sshll.u32 s26, $0x1;
	_ =	strace $0x80000046;
	[dreg:$0x1] =	wrdreg $0xFFFFFFFF  }
0xac: {  	s28 =	simm.s32 $_size_execute0_lowered;
	s8 =	sadd.s32 s8, s10;
	[dreg:$0x0] =	wrdreg $0x0  }
0xad: {  	s10 =	sshll.u32 s28, $0x1;
	[dreg:$0x2] =	wrdreg s8  }
0xae: {  	[dreg:$0x3] =	wrdreg s10  }
0xaf: {  	[dreg:$0x4] =	wrdreg $0xC0  }
0xb0: {  	_ =	task [dreg:s12], $0x5FFFF  }
0xb1: {  	[dreg:$0x1] =	wrdreg $0xFFFFFFFF  }
0xb2: {  	[dreg:$0x0] =	wrdreg $0x60  }
0xb3: {  	[dreg:$0x2] =	wrdreg s5  }
0xb4: {  	[dreg:$0x3] =	wrdreg s6  }
0xb5: {  	[dreg:$0x4] =	wrdreg s7  }
0xb6: {  	[dreg:$0x5] =	wrdreg s2  }
0xb7: {  	[dreg:$0x6] =	wrdreg s18  }
0xb8: {  	[dreg:$0x7] =	wrdreg s4  }
0xb9: {  	[dreg:$0x8] =	wrdreg s24  }
0xba: {  	[dreg:$0x9] =	wrdreg $0x9  }
0xbb: {  	_ =	task.clear_ibuf [dreg:s12], $0xAFFFF;
	_ =	strace $0x90000046  }
0xbc: {  	s29 =	simm.s32 $0x9;
	_ =	strace $0x80000048  }
0xbd: {  	_ =	swait.ge [sflag:s29], $0x1  }
0xbe: {  	[sflag:s29] =	ssyncadd.s32 $0xFFFFFFFF  }
0xbf: {  	_ =	strace $0x90000048  }
0xc0: {  	_ =	sfence  }
0xc1: {  	s30 =	sld [smem:$0x0];
	_ =	sdelay $0x2  }
0xc2: {  	s31 =	sshll.u32 s1, $0xD;
	s1 =	sshrl.u32 s1, $0x2  }
0xc3: {  	s3 =	sand.u32 $0x4000, s31;
	s1 =	sadd.s32 s1, s30  }
0xc4: {  	s0 =	sor.u32 s3, s0;
	s1 =	sshll.u32 s1, $0x11  }
0xc5: {  	s0 =	sor.u32 s1, s0  }
0xc6: {  	s0 =	sadd.s32 $0x8F2B, s0  }
0xc7: {  	[sflag:s0] =	ssyncadd.remote.s32 $0x1  }
0xc8: {  	_ =	sfence.sel $0xFFFF  }
0xc9: {  	[dreg:$0x0] =	wrdreg $0xFFFFFFFF;
	(pc) =	sbr.abs _section_cstart, $3  }
0xca: {  	[dreg:$0x1] =	wrdreg $0xFFFFFFFF  }
0xcb: {  	_ =	task.clear_ibuf [dreg:s12], $0x2FFFF;
	_ =	strace $0x9FFFFFFF  }
0xcc: {  	(tm) =	ssettm $0x7FFFFFFF  }
0xcd: {  	_ =	shalt  }
tec
execute0_lowered:
.L_overlay_start_1:
0x0: {  	(tag) =	ssettag $0x1  }
0x1: {  	s0 =	rddreg [dreg:$0x0]  }
0x2: {  	s1 =	rddreg [dreg:$0x1]  }
0x3: {  	s3 =	rddreg [dreg:$0x2]  }
0x4: {  	s6 =	rddreg [dreg:$0x3];
	s4 =	srdreg.scid  }
0x5: {  	s7 =	rddreg [dreg:$0x4];
	s2 =	stileid.u32;
	s24 =	sand.u32 $0x1, s4  }
0x6: {  	s9 =	rddreg [dreg:$0x5];
	s8 =	sshll.u32 s2, $0x8;
	s10 =	sshll.u32 s24, $0x7  }
0x7: {  	s18 =	rddreg [dreg:$0x6];
	s5 =	simm.s32 $0x0;
	s19 =	sor.u32 s10, s8  }
0x8: {  	[smem:$0x7FF] =	sst s5;
	s10 =	sshrl.u32 s19, $0x3  }
0x9: {  	s4 =	rddreg [dreg:$0x7];
	_ =	strace $0x80000047;
	s6 =	sadd.s32 s6, s10  }
0xa: {  	[tilespmem:s5], [sflag:$0x1] =	stream.linear.gather [hbm4b:s6+s5], $0x80, $0x38;
	[tilespmem:$0xC180] =	vst v63  }
0xb: {  	s8 =	simm.s32 $0x80;
	s7 =	sadd.s32 s7, s10  }
0xc: {  	[tilespmem:s8], [sflag:$0x2] =	stream.linear.gather [hbm4b:s7+s5], $0x80, $0x38;
	[tilespmem:$0xC180] =	vst v63  }
0xd: {  	s11 =	simm.s32 $0x1;
	s9 =	sadd.s32 s9, s10;
	s10 =	simm.s32 $0x100  }
0xe: {  	[tilespmem:s10], [sflag:$0x3] =	stream.linear.gather [hbm4b:s9+s5], $0x80, $0x38;
	[tilespmem:$0xC180] =	vst v63  }
0xf: {  	_ =	swait.ge [sflag:s11], $0x80  }
0x10: {  	[sflag:s11] =	ssyncset.done $0x0  }
0x11: {  	s12 =	simm.s32 $0x180;
	s13 =	simm.s32 $0x2;
	[sflag:s11] =	ssyncadd.s32 $0xFFFFFF80  }
0x12: {  	[tilespmem:s12], [sflag:$0x4] =	stream.indirect.gather [hbm4b:s0+s8], $0x80, s5, s8, $0xb8;
	[tilespmem:$0xC180] =	vst v63  }
0x13: {  	_ =	swait.ge [sflag:s13], $0x80  }
0x14: {  	[sflag:s13] =	ssyncset.done $0x0  }
0x15: {  	s14 =	simm.s32 $0x4180;
	s15 =	simm.s32 $0x3;
	[sflag:s13] =	ssyncadd.s32 $0xFFFFFF80  }
0x16: {  	[tilespmem:s14], [sflag:$0x5] =	stream.indirect.gather [hbm4b:s1+s8], $0x80, s8, s8, $0xb8;
	[tilespmem:$0xC180] =	vst v63  }
0x17: {  	_ =	swait.ge [sflag:s15], $0x80  }
0x18: {  	[sflag:s15] =	ssyncset.done $0x0  }
0x19: {  	s16 =	simm.s32 $0x8180;
	s17 =	simm.s32 $0x4;
	[sflag:s15] =	ssyncadd.s32 $0xFFFFFF80  }
0x1a: {  	[tilespmem:s16], [sflag:$0x6] =	stream.indirect.gather [hbm4b:s3+s8], $0x80, s10, s8, $0xb8;
	[tilespmem:$0xC180] =	vst v63  }
0x1b: {  	s19 =	sshll.u32 s19, $0x4;
	_ =	swait.ge [sflag:s17], $0x4000  }
0x1c: {  	s22 =	sadd.s32 s19, s18;
	[sflag:s17] =	ssyncset.done $0x0  }
0x1d: {  	s19 =	simm.s32 $0x5;
	s18 =	sadd.s32 $0x1800, s22;
	[sflag:s17] =	ssyncadd.s32 $0xFFFFC000  }
0x1e: {  	[hbm4b:s18+s5] =	stream.linear.scatter [tilespmem:s12], [sflag:$0x7], $0x4000, $0x38;
	[tilespmem:$0xC180] =	vst v63  }
0x1f: {  	_ =	swait.ge [sflag:s19], $0x4000  }
0x20: {  	[sflag:s19] =	ssyncset.done $0x0  }
0x21: {  	s21 =	simm.s32 $0x6;
	s20 =	sadd.s32 $0x11800, s22;
	[sflag:s19] =	ssyncadd.s32 $0xFFFFC000  }
0x22: {  	[hbm4b:s20+s5] =	stream.linear.scatter [tilespmem:s14], [sflag:$0x8], $0x4000, $0x38;
	[tilespmem:$0xC180] =	vst v63  }
0x23: {  	_ =	swait.ge [sflag:s21], $0x4000  }
0x24: {  	s23 =	simm.s32 $0x7;
	s25 =	ssub.s32 $0x2, s24;
	[sflag:s21] =	ssyncset.done $0x0  }
0x25: {  	s26 =	sshrl.u32 s25, $0x1;
	s22 =	sadd.s32 $0x21800, s22;
	[sflag:s21] =	ssyncadd.s32 $0xFFFFC000  }
0x26: {  	[hbm4b:s22+s5] =	stream.linear.scatter [tilespmem:s16], [sflag:$0x9], $0x4000, $0x38;
	[tilespmem:$0xC180] =	vst v63  }
0x27: {  	s25 =	ssub.s32 s25, s26;
	_ =	swait.ge [sflag:s23], $0x4000  }
0x28: {  	s26 =	smax.u32 s25, $0x1;
	[sflag:s23] =	ssyncset.done $0x0  }
0x29: {  	s24 =	simm.s32 $0x8;
	p0 =	sne.s32 s26, $0x1;
	[sflag:s23] =	ssyncadd.s32 $0xFFFFC000  }
.Ltmp0:
0x2a: {  	_ =	swait.ge [sflag:s24], $0x4000;
	(pc) =	sbr.rel @!p0 .LBB2_2-.Ltmp0, $4  }
0x2b: {  	[sflag:s24] =	ssyncset.done $0x0  }
0x2c: {  	s25 =	simm.s32 $0x9;
	[sflag:s24] =	ssyncadd.s32 $0xFFFFC000  }
0x2d: {  	_ =	swait.ge [sflag:s25], $0x4000  }
0x2e: {  	s26 =	sadd.s32 $0xFFFFFFFF, s26;
	[sflag:s25] =	ssyncset.done $0x0  }
.LBB2_1:
0x2f: {  	p0 =	sne.s32 s26, $0x1;
	s26 =	sadd.s32 $0xFFFFFFFF, s26;
	[sflag:s25] =	ssyncadd.s32 $0xFFFFC000  }
0x30: {  	[tilespmem:s5], [sflag:$0x1] =	stream.linear.gather [hbm4b:s6+s5], $0x80, $0x38;
	[tilespmem:$0xC180] =	vst v63  }
0x31: {  	_ = 	snop  }
0x32: {  	[tilespmem:s8], [sflag:$0x2] =	stream.linear.gather [hbm4b:s7+s5], $0x80, $0x38;
	[tilespmem:$0xC180] =	vst v63  }
0x33: {  	_ = 	snop  }
0x34: {  	[tilespmem:s10], [sflag:$0x3] =	stream.linear.gather [hbm4b:s9+s5], $0x80, $0x38;
	[tilespmem:$0xC180] =	vst v63  }
0x35: {  	_ =	swait.ge [sflag:s11], $0x80  }
0x36: {  	[sflag:s11] =	ssyncset.done $0x0  }
0x37: {  	[sflag:s11] =	ssyncadd.s32 $0xFFFFFF80  }
0x38: {  	[tilespmem:s12], [sflag:$0x4] =	stream.indirect.gather [hbm4b:s0+s8], $0x80, s5, s8, $0xb8;
	[tilespmem:$0xC180] =	vst v63  }
0x39: {  	_ =	swait.ge [sflag:s13], $0x80  }
0x3a: {  	[sflag:s13] =	ssyncset.done $0x0  }
0x3b: {  	[sflag:s13] =	ssyncadd.s32 $0xFFFFFF80  }
0x3c: {  	[tilespmem:s14], [sflag:$0x5] =	stream.indirect.gather [hbm4b:s1+s8], $0x80, s8, s8, $0xb8;
	[tilespmem:$0xC180] =	vst v63  }
0x3d: {  	_ =	swait.ge [sflag:s15], $0x80  }
0x3e: {  	[sflag:s15] =	ssyncset.done $0x0  }
0x3f: {  	[sflag:s15] =	ssyncadd.s32 $0xFFFFFF80  }
0x40: {  	[tilespmem:s16], [sflag:$0x6] =	stream.indirect.gather [hbm4b:s3+s8], $0x80, s10, s8, $0xb8;
	[tilespmem:$0xC180] =	vst v63  }
0x41: {  	_ =	swait.ge [sflag:s17], $0x4000  }
0x42: {  	[sflag:s17] =	ssyncset.done $0x0  }
0x43: {  	[sflag:s17] =	ssyncadd.s32 $0xFFFFC000  }
0x44: {  	[hbm4b:s18+s5] =	stream.linear.scatter [tilespmem:s12], [sflag:$0x7], $0x4000, $0x38;
	[tilespmem:$0xC180] =	vst v63  }
0x45: {  	_ =	swait.ge [sflag:s19], $0x4000  }
0x46: {  	[sflag:s19] =	ssyncset.done $0x0  }
0x47: {  	[sflag:s19] =	ssyncadd.s32 $0xFFFFC000  }
0x48: {  	[hbm4b:s20+s5] =	stream.linear.scatter [tilespmem:s14], [sflag:$0x8], $0x4000, $0x38;
	[tilespmem:$0xC180] =	vst v63  }
0x49: {  	_ =	swait.ge [sflag:s21], $0x4000  }
0x4a: {  	[sflag:s21] =	ssyncset.done $0x0  }
0x4b: {  	[sflag:s21] =	ssyncadd.s32 $0xFFFFC000  }
0x4c: {  	[hbm4b:s22+s5] =	stream.linear.scatter [tilespmem:s16], [sflag:$0x9], $0x4000, $0x38;
	[tilespmem:$0xC180] =	vst v63  }
0x4d: {  	_ =	swait.ge [sflag:s23], $0x4000  }
0x4e: {  	[sflag:s23] =	ssyncset.done $0x0  }
0x4f: {  	[sflag:s23] =	ssyncadd.s32 $0xFFFFC000  }
.Ltmp1:
0x50: {  	_ =	swait.ge [sflag:s24], $0x4000;
	(pc) =	sbr.rel @p0 .LBB2_1-.Ltmp1, $4  }
0x51: {  	[sflag:s24] =	ssyncset.done $0x0  }
0x52: {  	[sflag:s24] =	ssyncadd.s32 $0xFFFFC000  }
0x53: {  	_ =	swait.ge [sflag:s25], $0x4000  }
0x54: {  	[sflag:s25] =	ssyncset.done $0x0  }
.LBB2_2:
0x55: {  	[sflag:s25] =	ssyncadd.s32 $0xFFFFC000  }
0x56: {  	_ =	sfence.sel $0x180000  }
0x57: {  	[bflag:$0x0] =	sbarrier.arrive $0xFFFF  }
0x58: {  	p0 =	sne.s32 s2, $0x0;
	_ =	strace $0x90000047  }
0x59: {  	s0 =	sadd.s32 @!p0 $0x100000, s4;
	[bflag:$0x2] =	sbarrier.arrive $0xFFFF  }
0x5a: {  	[sflag:s0] =	ssyncadd.tile.s32 @!p0 $0x1;
	_ =	shalt  }
.Lfunc_end2:
_tile_overlayer_lowered:
.L_overlay_start_2:
0x5b: {  	(tag) =	ssettag $0x2  }
0x5c: {  	s0 =	rddreg [dreg:$0x0];
	s2 =	stileid.u32  }
0x5d: {  	s1 =	rddreg [dreg:$0x1];
	p0 =	sne.s32 s2, $0x0  }
0x5e: {  	s3 =	rddreg [dreg:$0x2];
	[bflag:$0x3] =	sbarrier.arrive $0xFFFF;
	s2 =	simm.s32 @!p0 $0x1C0A  }
0x5f: {  	[timem:s3], [sflag:s2] =	dma.local @!p0 [hbm:s0], s1  }
0x60: {  	s0 =	simm.s32 @!p0 $0xA  }
0x61: {  	_ =	swait.ge @!p0 [sflag:s0], s1  }
0x62: {  	s1 =	ssub.s32 @!p0 $0x0, s1;
	[sflag:s0] =	ssyncset.done @!p0 $0x0  }
0x63: {  	[sflag:s0] =	ssyncadd.s32 @!p0 s1  }
0x64: {  	[bflag:$0x3] =	sbarrier.arrive $0xFFFF  }
0x65: {  	_ =	shalt  }

</sc_bundles>
